<compile_context>
chip_gen: v7x
topology: tpu7x:2x2x1
jax: 0.10.2.dev20260603
libtpu: 0.0.44.dev20260713+nightly
codegen_flags: <defaults>
</compile_context>

<pallas_src>
import functools

import jax
import jax.numpy as jnp
from jax import lax
from jax.experimental import pallas as pl
from jax.experimental.pallas import tpu as pltpu
from jax.experimental.pallas import tpu_sc as plsc

_LANES = 16
_UNROLL = 4
_NC = 2
_NS = 16


@functools.lru_cache(maxsize=None)
def _make_gather(M, L, C, B):
    NW = _NC * _NS
    assert M % NW == 0
    T = M // NW
    HA = ((L // 2) + 127) // 128 * 128
    HB = L - HA
    STEPS = T * C

    mesh = plsc.VectorSubcoreMesh(core_axis_name="c", subcore_axis_name="s")

    @functools.partial(
        pl.kernel,
        out_type=jax.ShapeDtypeStruct((M, C, B), jnp.float32),
        mesh=mesh,
        scratch_types=[
            pltpu.VMEM((B,), jnp.int32),
            pltpu.VMEM((HA,), jnp.float32),
            pltpu.VMEM((HB,), jnp.float32),
            pltpu.VMEM((B,), jnp.float32),
            pltpu.SemaphoreType.DMA,
            pltpu.SemaphoreType.DMA,
            pltpu.SemaphoreType.DMA,
        ],
        compiler_params=pltpu.CompilerParams(needs_layout_passes=False),
    )
    def k(leafs_t, idx_t, out, idx_v, buf_a, buf_b, out_v, sem_a, sem_b, sem_o):
        ci = lax.axis_index("c")
        si = lax.axis_index("s")
        wid = si * _NC + ci
        m0 = wid * T

        pltpu.sync_copy(idx_t.at[m0], idx_v)
        pltpu.async_copy(leafs_t.at[m0, 0, pl.ds(0, HA)], buf_a, sem_a)

        def step(tc, _):
            t = tc // C
            c = tc % C
            m = wid * T + t

            pltpu.make_async_copy(
                leafs_t.at[m, c, pl.ds(0, HA)], buf_a, sem_a
            ).wait()
            pltpu.async_copy(leafs_t.at[m, c, pl.ds(HA, HB)], buf_b, sem_b)

            @pl.when(tc >= 1)
            def _():
                tp = tc - 1
                pltpu.make_async_copy(
                    out_v, out.at[wid * T + tp // C, tp % C], sem_o
                ).wait()

            def pass0(j, _):
                for u in range(_UNROLL):
                    sl = pl.ds((j * _UNROLL + u) * _LANES, _LANES)
                    iv = idx_v[sl]
                    rel = jnp.where(iv < HA, iv, 0)
                    out_v[sl] = plsc.load_gather(buf_a, [rel])
                return 0

            lax.fori_loop(0, B // _LANES // _UNROLL, pass0, 0)

            pltpu.make_async_copy(
                leafs_t.at[m, c, pl.ds(HA, HB)], buf_b, sem_b
            ).wait()

            @pl.when(tc + 1 < STEPS)
            def _():
                tn = tc + 1
                mm = wid * T + tn // C
                cc = tn % C
                pltpu.async_copy(leafs_t.at[mm, cc, pl.ds(0, HA)], buf_a, sem_a)

            def pass1(j, _):
                for u in range(_UNROLL):
                    sl = pl.ds((j * _UNROLL + u) * _LANES, _LANES)
                    iv = idx_v[sl]
                    hi = iv >= HA
                    rel = jnp.where(hi, iv - HA, 0)
                    g = plsc.load_gather(buf_b, [rel])
                    out_v[sl] = jnp.where(hi, g, out_v[sl])
                return 0

            lax.fori_loop(0, B // _LANES // _UNROLL, pass1, 0)

            @pl.when(jnp.logical_and(tc + 1 < STEPS, (tc + 1) % C == 0))
            def _():
                pltpu.sync_copy(idx_t.at[wid * T + (tc + 1) // C], idx_v)

            pltpu.async_copy(out_v, out.at[m, c], sem_o)
            return 0

        lax.fori_loop(0, STEPS, step, 0)
        pltpu.make_async_copy(
            out_v, out.at[wid * T + T - 1, C - 1], sem_o
        ).wait()

    return k


def kernel(x, idx, leafs):
    M, L, C = leafs.shape
    B = idx.shape[0]
    leafs_t = jnp.transpose(leafs, (0, 2, 1))
    idx_t = idx.T
    out_mcb = _make_gather(M, L, C, B)(leafs_t, idx_t)
    return jnp.transpose(out_mcb, (0, 2, 1))

# --- scband reference (transcript-rebuilt; emitter-appended) ---
"""Pipeline reference for scband-ncrandom-forest-classifier-24335284699674 (READ-ONLY COPY).

The authoritative reference and input builder live on the scoring server;
editing this copy changes nothing except your own understanding.
"""

import jax, jax.numpy as jnp
import numpy as np

M = 64       # number of trees in base_forest.estimators_
L = 100000   # leaves per tree (uniform for benchmarking)
C = 16       # number of classes
B = 4096     # batch size
D = 128      # feature dim (x is carried through forward signature but unused by the gather)


def setup_inputs(seed: int = 0) -> dict:
    key = jax.random.key(seed)
    k1, k2, k3 = jax.random.split(key, 3)
    x = jax.random.normal(k1, (B, D), dtype=jnp.float32)
    # idx[:, i] holds the leaf index reached in tree i for each example (tree.apply output)
    idx = jax.random.randint(k2, (B, M), 0, L, dtype=jnp.int32)
    # self.leafs: per-tree leaf class-probability tables, normalized like tree_.value / sum
    raw = jax.random.uniform(k3, (M, L, C), dtype=jnp.float32) + 1e-3
    leafs = raw / raw.sum(axis=-1, keepdims=True)
    return {"x": x, "idx": idx, "leafs": leafs}


def reference(x, idx, leafs):
    # Faithful translation of NCRandomForestClassifier.forward:
    #   pred = []
    #   for i in range(len(self.base_forest.estimators_)):
    #       pred.append(self.leafs[i][idx[:, i]])
    #   return torch.stack(pred)
    M_ = leafs.shape[0]
    pred = []
    for i in range(M_):
        pred.append(leafs[i][idx[:, i]])  # gather: (B, C)
    return jnp.stack(pred)  # (M, B, C)

if __name__ == "__main__":
    import jax
    _d = setup_inputs()
    print(jax.jit(kernel)(*tuple(_d.values())))

</pallas_src>

<mosaic_0001>
#map = affine_map<(d0, d1) -> (0, 0, 0)>
#map1 = affine_map<(d0, d1) -> (0, 0)>
module attributes {stable_mosaic.version = 14 : i64} {
  func.func @k(%arg0: i32, %arg1: i32, %arg2: memref<64x16x100000xf32, #tpu.memory_space<hbm>>, %arg3: memref<64x4096xi32, #tpu.memory_space<hbm>>, %arg4: memref<64x16x4096xf32, #tpu.memory_space<hbm>>, %arg5: memref<4096xi32, #tpu.memory_space<vmem>>, %arg6: memref<50048xf32, #tpu.memory_space<vmem>>, %arg7: memref<49952xf32, #tpu.memory_space<vmem>>, %arg8: memref<4096xf32, #tpu.memory_space<vmem>>, %arg9: memref<!tpu.dma_semaphore, #tpu.memory_space<semaphore_mem>>, %arg10: memref<!tpu.dma_semaphore, #tpu.memory_space<semaphore_mem>>, %arg11: memref<!tpu.dma_semaphore, #tpu.memory_space<semaphore_mem>>) attributes {dimension_semantics = [#tpu.dimension_semantics<core_parallel>, #tpu.dimension_semantics<subcore_parallel>], iteration_bounds = array<i64: 2, 16>, scalar_prefetch = 0 : i64, scratch_operands = 7 : i64, tpu.core_type = #tpu.core_type<sc_vector_subcore>, window_params = [{transform_indices = #map}, {transform_indices = #map1}, {transform_indices = #map}]} {
    %mul3A = arith.constant 2 : i32
    %mul3A_0 = arith.muli %arg1, %mul3A : i32
    %add3A = arith.addi %mul3A_0, %arg0 : i32
    %mul3A_1 = arith.constant 2 : i32
    %mul3A_2 = arith.muli %add3A, %mul3A_1 : i32
    "tpu.region"() ({
      %run_scoped3A = tpu.sem_alloc : memref<!tpu.dma_semaphore, #tpu.memory_space<semaphore_mem>>
      %dma_start3A_26 = arith.constant 0 : i32
      %dma_start3A_27 = tpu.memref_slice %arg3[%mul3A_2, %dma_start3A_26] : memref<64x4096xi32, #tpu.memory_space<hbm>> -> memref<1x4096xi32, #tpu.memory_space<hbm>>
      %dma_start3A_28 = tpu.memref_squeeze %dma_start3A_27 : memref<1x4096xi32, #tpu.memory_space<hbm>> -> memref<4096xi32, #tpu.memory_space<hbm>>
      %dma_start3A_29 = arith.constant 0 : i32
      %dma_start3A_30 = tpu.memref_slice %arg3[%mul3A_2, %dma_start3A_29] : memref<64x4096xi32, #tpu.memory_space<hbm>> -> memref<1x4096xi32, #tpu.memory_space<hbm>>
      %dma_start3A_31 = tpu.memref_squeeze %dma_start3A_30 : memref<1x4096xi32, #tpu.memory_space<hbm>> -> memref<4096xi32, #tpu.memory_space<hbm>>
      tpu.enqueue_dma source(%dma_start3A_31 : memref<4096xi32, #tpu.memory_space<hbm>>) target(%arg5 : memref<4096xi32, #tpu.memory_space<vmem>>) target_semaphore(%run_scoped3A : memref<!tpu.dma_semaphore, #tpu.memory_space<semaphore_mem>>)
      %dma_wait3A_32 = arith.constant 0 : i32
      %dma_wait3A_33 = tpu.memref_slice %arg3[%mul3A_2, %dma_wait3A_32] : memref<64x4096xi32, #tpu.memory_space<hbm>> -> memref<1x4096xi32, #tpu.memory_space<hbm>>
      %dma_wait3A_34 = tpu.memref_squeeze %dma_wait3A_33 : memref<1x4096xi32, #tpu.memory_space<hbm>> -> memref<4096xi32, #tpu.memory_space<hbm>>
      %dma_wait3A_35 = arith.constant 0 : i32
      %dma_wait3A_36 = tpu.memref_slice %arg3[%mul3A_2, %dma_wait3A_35] : memref<64x4096xi32, #tpu.memory_space<hbm>> -> memref<1x4096xi32, #tpu.memory_space<hbm>>
      %dma_wait3A_37 = tpu.memref_squeeze %dma_wait3A_36 : memref<1x4096xi32, #tpu.memory_space<hbm>> -> memref<4096xi32, #tpu.memory_space<hbm>>
      tpu.wait_dma2 semaphore(%run_scoped3A : memref<!tpu.dma_semaphore, #tpu.memory_space<semaphore_mem>>) src(%dma_wait3A_37 : memref<4096xi32, #tpu.memory_space<hbm>>) dst(%arg5 : memref<4096xi32, #tpu.memory_space<vmem>>)
      tpu.yield
    }) : () -> ()
    %dma_start3A = arith.constant 0 : i32
    %dma_start3A_3 = arith.constant 0 : i32
    %dma_start3A_4 = tpu.memref_slice %arg2[%mul3A_2, %dma_start3A, %dma_start3A_3] : memref<64x16x100000xf32, #tpu.memory_space<hbm>> -> memref<1x1x50048xf32, #tpu.memory_space<hbm>>
    %dma_start3A_5 = tpu.memref_squeeze %dma_start3A_4 : memref<1x1x50048xf32, #tpu.memory_space<hbm>> -> memref<50048xf32, #tpu.memory_space<hbm>>
    %dma_start3A_6 = arith.constant 0 : i32
    %dma_start3A_7 = tpu.memref_slice %arg2[%mul3A_2, %dma_start3A, %dma_start3A_6] : memref<64x16x100000xf32, #tpu.memory_space<hbm>> -> memref<1x1x50048xf32, #tpu.memory_space<hbm>>
    %dma_start3A_8 = tpu.memref_squeeze %dma_start3A_7 : memref<1x1x50048xf32, #tpu.memory_space<hbm>> -> memref<50048xf32, #tpu.memory_space<hbm>>
    tpu.enqueue_dma source(%dma_start3A_8 : memref<50048xf32, #tpu.memory_space<hbm>>) target(%arg6 : memref<50048xf32, #tpu.memory_space<vmem>>) target_semaphore(%arg9 : memref<!tpu.dma_semaphore, #tpu.memory_space<semaphore_mem>>)
    %scan3A = arith.constant 0 : i32
    %scan3A_9 = arith.constant 0 : i32
    %scan3A_10 = arith.constant 32 : i32
    %scan3A_11 = arith.addi %scan3A_9, %scan3A_10 : i32
    %scan3A_12 = arith.constant 1 : i32
    %scan3A_13 = scf.for %scan3A_26 = %scan3A_9 to %scan3A_11 step %scan3A_12 iter_args(%scan3A_27 = %scan3A) -> (i32)  : i32 {
      %jit3A = arith.constant 16 : i32
      %div3A = arith.divsi %scan3A_26, %jit3A : i32
      %sign3A = arith.constant 0 : i32
      %sign3A_28 = arith.cmpi sgt, %scan3A_26, %sign3A : i32
      %sign3A_29 = arith.extui %sign3A_28 : i1 to i32
      %sign3A_30 = arith.constant 0 : i32
      %sign3A_31 = arith.cmpi slt, %scan3A_26, %sign3A_30 : i32
      %sign3A_32 = arith.extui %sign3A_31 : i1 to i32
      %sign3A_33 = arith.subi %sign3A_29, %sign3A_32 : i32
      %sign3A_34 = arith.constant 0 : i32
      %sign3A_35 = arith.cmpi sgt, %jit3A, %sign3A_34 : i32
      %sign3A_36 = arith.extui %sign3A_35 : i1 to i32
      %sign3A_37 = arith.constant 0 : i32
      %sign3A_38 = arith.cmpi slt, %jit3A, %sign3A_37 : i32
      %sign3A_39 = arith.extui %sign3A_38 : i1 to i32
      %sign3A_40 = arith.subi %sign3A_36, %sign3A_39 : i32
      %ne3A = arith.cmpi ne, %sign3A_33, %sign3A_40 : i32
      %rem3A = arith.remsi %scan3A_26, %jit3A : i32
      %ne3A_41 = arith.constant 0 : i32
      %ne3A_42 = arith.cmpi ne, %rem3A, %ne3A_41 : i32
      %and3A = arith.andi %ne3A, %ne3A_42 : i1
      %sub3A_43 = arith.constant 1 : i32
      %sub3A_44 = arith.subi %div3A, %sub3A_43 : i32
      %select_n3A = arith.select %and3A, %sub3A_44, %div3A : i32
      %jit3A_45 = arith.constant 16 : i32
      %eq3A = arith.constant 0 : i32
      %eq3A_46 = arith.cmpi eq, %jit3A_45, %eq3A : i32
      %jit3A_47 = arith.constant 1 : i32
      %select_n3A_48 = arith.select %eq3A_46, %jit3A_47, %jit3A_45 : i32
      %rem3A_49 = arith.remsi %scan3A_26, %select_n3A_48 : i32
      %ne3A_50 = arith.constant 0 : i32
      %ne3A_51 = arith.cmpi ne, %rem3A_49, %ne3A_50 : i32
      %lt3A = arith.constant 0 : i32
      %lt3A_52 = arith.cmpi slt, %rem3A_49, %lt3A : i32
      %lt3A_53 = arith.constant 0 : i32
      %lt3A_54 = arith.cmpi slt, %select_n3A_48, %lt3A_53 : i32
      %ne3A_55 = arith.xori %lt3A_52, %lt3A_54 : i1
      %and3A_56 = arith.andi %ne3A_55, %ne3A_51 : i1
      %add3A_57 = arith.addi %rem3A_49, %select_n3A_48 : i32
      %select_n3A_58 = arith.select %and3A_56, %add3A_57, %rem3A_49 : i32
      %mul3A_59 = arith.constant 2 : i32
      %mul3A_60 = arith.muli %add3A, %mul3A_59 : i32
      %add3A_61 = arith.addi %mul3A_60, %select_n3A : i32
      %dma_wait3A_62 = arith.constant 0 : i32
      %dma_wait3A_63 = tpu.memref_slice %arg2[%add3A_61, %select_n3A_58, %dma_wait3A_62] : memref<64x16x100000xf32, #tpu.memory_space<hbm>> -> memref<1x1x50048xf32, #tpu.memory_space<hbm>>
      %dma_wait3A_64 = tpu.memref_squeeze %dma_wait3A_63 : memref<1x1x50048xf32, #tpu.memory_space<hbm>> -> memref<50048xf32, #tpu.memory_space<hbm>>
      %dma_wait3A_65 = arith.constant 0 : i32
      %dma_wait3A_66 = tpu.memref_slice %arg2[%add3A_61, %select_n3A_58, %dma_wait3A_65] : memref<64x16x100000xf32, #tpu.memory_space<hbm>> -> memref<1x1x50048xf32, #tpu.memory_space<hbm>>
      %dma_wait3A_67 = tpu.memref_squeeze %dma_wait3A_66 : memref<1x1x50048xf32, #tpu.memory_space<hbm>> -> memref<50048xf32, #tpu.memory_space<hbm>>
      tpu.wait_dma2 semaphore(%arg9 : memref<!tpu.dma_semaphore, #tpu.memory_space<semaphore_mem>>) src(%dma_wait3A_67 : memref<50048xf32, #tpu.memory_space<hbm>>) dst(%arg6 : memref<50048xf32, #tpu.memory_space<vmem>>)
      %dma_start3A_68 = arith.constant 50048 : i32
      %dma_start3A_69 = tpu.memref_slice %arg2[%add3A_61, %select_n3A_58, %dma_start3A_68] : memref<64x16x100000xf32, #tpu.memory_space<hbm>> -> memref<1x1x49952xf32, #tpu.memory_space<hbm>>
      %dma_start3A_70 = tpu.memref_squeeze %dma_start3A_69 : memref<1x1x49952xf32, #tpu.memory_space<hbm>> -> memref<49952xf32, #tpu.memory_space<hbm>>
      %dma_start3A_71 = arith.constant 50048 : i32
      %dma_start3A_72 = tpu.memref_slice %arg2[%add3A_61, %select_n3A_58, %dma_start3A_71] : memref<64x16x100000xf32, #tpu.memory_space<hbm>> -> memref<1x1x49952xf32, #tpu.memory_space<hbm>>
      %dma_start3A_73 = tpu.memref_squeeze %dma_start3A_72 : memref<1x1x49952xf32, #tpu.memory_space<hbm>> -> memref<49952xf32, #tpu.memory_space<hbm>>
      tpu.enqueue_dma source(%dma_start3A_73 : memref<49952xf32, #tpu.memory_space<hbm>>) target(%arg7 : memref<49952xf32, #tpu.memory_space<vmem>>) target_semaphore(%arg10 : memref<!tpu.dma_semaphore, #tpu.memory_space<semaphore_mem>>)
      %ge3A = arith.constant 1 : i32
      %ge3A_74 = arith.cmpi sge, %scan3A_26, %ge3A : i32
      %convert_element_type3A = arith.extui %ge3A_74 : i1 to i32
      %cond3A = arith.constant 0 : i32
      %cond3A_75 = arith.cmpi ne, %convert_element_type3A, %cond3A : i32
      scf.if %cond3A_75 {
        %sub3A_138 = arith.constant 1 : i32
        %sub3A_139 = arith.subi %scan3A_26, %sub3A_138 : i32
        %mul3A_140 = arith.constant 2 : i32
        %mul3A_141 = arith.muli %add3A, %mul3A_140 : i32
        %jit3A_142 = arith.constant 16 : i32
        %div3A_143 = arith.divsi %sub3A_139, %jit3A_142 : i32
        %sign3A_144 = arith.constant 0 : i32
        %sign3A_145 = arith.cmpi sgt, %sub3A_139, %sign3A_144 : i32
        %sign3A_146 = arith.extui %sign3A_145 : i1 to i32
        %sign3A_147 = arith.constant 0 : i32
        %sign3A_148 = arith.cmpi slt, %sub3A_139, %sign3A_147 : i32
        %sign3A_149 = arith.extui %sign3A_148 : i1 to i32
        %sign3A_150 = arith.subi %sign3A_146, %sign3A_149 : i32
        %sign3A_151 = arith.constant 0 : i32
        %sign3A_152 = arith.cmpi sgt, %jit3A_142, %sign3A_151 : i32
        %sign3A_153 = arith.extui %sign3A_152 : i1 to i32
        %sign3A_154 = arith.constant 0 : i32
        %sign3A_155 = arith.cmpi slt, %jit3A_142, %sign3A_154 : i32
        %sign3A_156 = arith.extui %sign3A_155 : i1 to i32
        %sign3A_157 = arith.subi %sign3A_153, %sign3A_156 : i32
        %ne3A_158 = arith.cmpi ne, %sign3A_150, %sign3A_157 : i32
        %rem3A_159 = arith.remsi %sub3A_139, %jit3A_142 : i32
        %ne3A_160 = arith.constant 0 : i32
        %ne3A_161 = arith.cmpi ne, %rem3A_159, %ne3A_160 : i32
        %and3A_162 = arith.andi %ne3A_158, %ne3A_161 : i1
        %sub3A_163 = arith.constant 1 : i32
        %sub3A_164 = arith.subi %div3A_143, %sub3A_163 : i32
        %select_n3A_165 = arith.select %and3A_162, %sub3A_164, %div3A_143 : i32
        %add3A_166 = arith.addi %mul3A_141, %select_n3A_165 : i32
        %jit3A_167 = arith.constant 16 : i32
        %eq3A_168 = arith.constant 0 : i32
        %eq3A_169 = arith.cmpi eq, %jit3A_167, %eq3A_168 : i32
        %jit3A_170 = arith.constant 1 : i32
        %select_n3A_171 = arith.select %eq3A_169, %jit3A_170, %jit3A_167 : i32
        %rem3A_172 = arith.remsi %sub3A_139, %select_n3A_171 : i32
        %ne3A_173 = arith.constant 0 : i32
        %ne3A_174 = arith.cmpi ne, %rem3A_172, %ne3A_173 : i32
        %lt3A_175 = arith.constant 0 : i32
        %lt3A_176 = arith.cmpi slt, %rem3A_172, %lt3A_175 : i32
        %lt3A_177 = arith.constant 0 : i32
        %lt3A_178 = arith.cmpi slt, %select_n3A_171, %lt3A_177 : i32
        %ne3A_179 = arith.xori %lt3A_176, %lt3A_178 : i1
        %and3A_180 = arith.andi %ne3A_179, %ne3A_174 : i1
        %add3A_181 = arith.addi %rem3A_172, %select_n3A_171 : i32
        %select_n3A_182 = arith.select %and3A_180, %add3A_181, %rem3A_172 : i32
        %dma_wait3A_183 = arith.constant 0 : i32
        %dma_wait3A_184 = tpu.memref_slice %arg4[%add3A_166, %select_n3A_182, %dma_wait3A_183] : memref<64x16x4096xf32, #tpu.memory_space<hbm>> -> memref<1x1x4096xf32, #tpu.memory_space<hbm>>
        %dma_wait3A_185 = tpu.memref_squeeze %dma_wait3A_184 : memref<1x1x4096xf32, #tpu.memory_space<hbm>> -> memref<4096xf32, #tpu.memory_space<hbm>>
        %dma_wait3A_186 = arith.constant 0 : i32
        %dma_wait3A_187 = tpu.memref_slice %arg4[%add3A_166, %select_n3A_182, %dma_wait3A_186] : memref<64x16x4096xf32, #tpu.memory_space<hbm>> -> memref<1x1x4096xf32, #tpu.memory_space<hbm>>
        %dma_wait3A_188 = tpu.memref_squeeze %dma_wait3A_187 : memref<1x1x4096xf32, #tpu.memory_space<hbm>> -> memref<4096xf32, #tpu.memory_space<hbm>>
        tpu.wait_dma2 semaphore(%arg11 : memref<!tpu.dma_semaphore, #tpu.memory_space<semaphore_mem>>) src(%arg8 : memref<4096xf32, #tpu.memory_space<vmem>>) dst(%dma_wait3A_188 : memref<4096xf32, #tpu.memory_space<hbm>>)
      } else {
      }
      %scan3A_76 = arith.constant 0 : i32
      %scan3A_77 = arith.constant 0 : i32
      %scan3A_78 = arith.constant 64 : i32
      %scan3A_79 = arith.addi %scan3A_77, %scan3A_78 : i32
      %scan3A_80 = arith.constant 1 : i32
      %scan3A_81 = scf.for %scan3A_138 = %scan3A_77 to %scan3A_79 step %scan3A_80 iter_args(%scan3A_139 = %scan3A_76) -> (i32)  : i32 {
        %mul3A_140 = arith.constant 4 : i32
        %mul3A_141 = arith.muli %scan3A_138, %mul3A_140 : i32
        %add3A_142 = arith.constant 0 : i32
        %add3A_143 = arith.addi %mul3A_141, %add3A_142 : i32
        %mul3A_144 = arith.constant 16 : i32
        %mul3A_145 = arith.muli %add3A_143, %mul3A_144 : i32
        %get3A = arith.index_cast %mul3A_145 : i32 to index
        %get3A_146 = tpu.vector_load %arg5[%get3A] {strides = array<i32>} : memref<4096xi32, #tpu.memory_space<vmem>>, vector<16xi32>,
        %lt3A_147 = arith.constant 50048 : i32
        %lt3A_148 = vector.broadcast %lt3A_147 : i32 to vector<16xi32>
        %lt3A_149 = arith.cmpi slt, %get3A_146, %lt3A_148 : vector<16xi32>
        %jit3A_150 = arith.constant 0 : i32
        %broadcast_in_dim3A = vector.broadcast %jit3A_150 : i32 to vector<16xi32>
        %select_n3A_151 = arith.select %lt3A_149, %get3A_146, %broadcast_in_dim3A : vector<16xi1>, vector<16xi32>
        %gather3A = tpu.vector_load_idx %arg6[%select_n3A_151] : memref<50048xf32, #tpu.memory_space<vmem>>[vector<16xi32>], vector<16xf32>,
        %swap3A = arith.index_cast %mul3A_145 : i32 to index
        %swap3A_152 = tpu.vector_load %arg8[%swap3A] {strides = array<i32>} : memref<4096xf32, #tpu.memory_space<vmem>>, vector<16xf32>,
        tpu.vector_store %arg8[%swap3A], %gather3A {strides = array<i32>} : memref<4096xf32, #tpu.memory_space<vmem>>, vector<16xf32>,
        %mul3A_153 = arith.constant 4 : i32
        %mul3A_154 = arith.muli %scan3A_138, %mul3A_153 : i32
        %add3A_155 = arith.constant 1 : i32
        %add3A_156 = arith.addi %mul3A_154, %add3A_155 : i32
        %mul3A_157 = arith.constant 16 : i32
        %mul3A_158 = arith.muli %add3A_156, %mul3A_157 : i32
        %get3A_159 = arith.index_cast %mul3A_158 : i32 to index
        %get3A_160 = tpu.vector_load %arg5[%get3A_159] {strides = array<i32>} : memref<4096xi32, #tpu.memory_space<vmem>>, vector<16xi32>,
        %lt3A_161 = arith.constant 50048 : i32
        %lt3A_162 = vector.broadcast %lt3A_161 : i32 to vector<16xi32>
        %lt3A_163 = arith.cmpi slt, %get3A_160, %lt3A_162 : vector<16xi32>
        %jit3A_164 = arith.constant 0 : i32
        %broadcast_in_dim3A_165 = vector.broadcast %jit3A_164 : i32 to vector<16xi32>
        %select_n3A_166 = arith.select %lt3A_163, %get3A_160, %broadcast_in_dim3A_165 : vector<16xi1>, vector<16xi32>
        %gather3A_167 = tpu.vector_load_idx %arg6[%select_n3A_166] : memref<50048xf32, #tpu.memory_space<vmem>>[vector<16xi32>], vector<16xf32>,
        %swap3A_168 = arith.index_cast %mul3A_158 : i32 to index
        %swap3A_169 = tpu.vector_load %arg8[%swap3A_168] {strides = array<i32>} : memref<4096xf32, #tpu.memory_space<vmem>>, vector<16xf32>,
        tpu.vector_store %arg8[%swap3A_168], %gather3A_167 {strides = array<i32>} : memref<4096xf32, #tpu.memory_space<vmem>>, vector<16xf32>,
        %mul3A_170 = arith.constant 4 : i32
        %mul3A_171 = arith.muli %scan3A_138, %mul3A_170 : i32
        %add3A_172 = arith.constant 2 : i32
        %add3A_173 = arith.addi %mul3A_171, %add3A_172 : i32
        %mul3A_174 = arith.constant 16 : i32
        %mul3A_175 = arith.muli %add3A_173, %mul3A_174 : i32
        %get3A_176 = arith.index_cast %mul3A_175 : i32 to index
        %get3A_177 = tpu.vector_load %arg5[%get3A_176] {strides = array<i32>} : memref<4096xi32, #tpu.memory_space<vmem>>, vector<16xi32>,
        %lt3A_178 = arith.constant 50048 : i32
        %lt3A_179 = vector.broadcast %lt3A_178 : i32 to vector<16xi32>
        %lt3A_180 = arith.cmpi slt, %get3A_177, %lt3A_179 : vector<16xi32>
        %jit3A_181 = arith.constant 0 : i32
        %broadcast_in_dim3A_182 = vector.broadcast %jit3A_181 : i32 to vector<16xi32>
        %select_n3A_183 = arith.select %lt3A_180, %get3A_177, %broadcast_in_dim3A_182 : vector<16xi1>, vector<16xi32>
        %gather3A_184 = tpu.vector_load_idx %arg6[%select_n3A_183] : memref<50048xf32, #tpu.memory_space<vmem>>[vector<16xi32>], vector<16xf32>,
        %swap3A_185 = arith.index_cast %mul3A_175 : i32 to index
        %swap3A_186 = tpu.vector_load %arg8[%swap3A_185] {strides = array<i32>} : memref<4096xf32, #tpu.memory_space<vmem>>, vector<16xf32>,
        tpu.vector_store %arg8[%swap3A_185], %gather3A_184 {strides = array<i32>} : memref<4096xf32, #tpu.memory_space<vmem>>, vector<16xf32>,
        %mul3A_187 = arith.constant 4 : i32
        %mul3A_188 = arith.muli %scan3A_138, %mul3A_187 : i32
        %add3A_189 = arith.constant 3 : i32
        %add3A_190 = arith.addi %mul3A_188, %add3A_189 : i32
        %mul3A_191 = arith.constant 16 : i32
        %mul3A_192 = arith.muli %add3A_190, %mul3A_191 : i32
        %get3A_193 = arith.index_cast %mul3A_192 : i32 to index
        %get3A_194 = tpu.vector_load %arg5[%get3A_193] {strides = array<i32>} : memref<4096xi32, #tpu.memory_space<vmem>>, vector<16xi32>,
        %lt3A_195 = arith.constant 50048 : i32
        %lt3A_196 = vector.broadcast %lt3A_195 : i32 to vector<16xi32>
        %lt3A_197 = arith.cmpi slt, %get3A_194, %lt3A_196 : vector<16xi32>
        %jit3A_198 = arith.constant 0 : i32
        %broadcast_in_dim3A_199 = vector.broadcast %jit3A_198 : i32 to vector<16xi32>
        %select_n3A_200 = arith.select %lt3A_197, %get3A_194, %broadcast_in_dim3A_199 : vector<16xi1>, vector<16xi32>
        %gather3A_201 = tpu.vector_load_idx %arg6[%select_n3A_200] : memref<50048xf32, #tpu.memory_space<vmem>>[vector<16xi32>], vector<16xf32>,
        %swap3A_202 = arith.index_cast %mul3A_192 : i32 to index
        %swap3A_203 = tpu.vector_load %arg8[%swap3A_202] {strides = array<i32>} : memref<4096xf32, #tpu.memory_space<vmem>>, vector<16xf32>,
        tpu.vector_store %arg8[%swap3A_202], %gather3A_201 {strides = array<i32>} : memref<4096xf32, #tpu.memory_space<vmem>>, vector<16xf32>,
        %scan3A_204 = arith.constant 0 : i32
        scf.yield %scan3A_204 : i32
      }
      %scan3A_82 = arith.constant 64 : i32
      %dma_wait3A_83 = arith.constant 50048 : i32
      %dma_wait3A_84 = tpu.memref_slice %arg2[%add3A_61, %select_n3A_58, %dma_wait3A_83] : memref<64x16x100000xf32, #tpu.memory_space<hbm>> -> memref<1x1x49952xf32, #tpu.memory_space<hbm>>
      %dma_wait3A_85 = tpu.memref_squeeze %dma_wait3A_84 : memref<1x1x49952xf32, #tpu.memory_space<hbm>> -> memref<49952xf32, #tpu.memory_space<hbm>>
      %dma_wait3A_86 = arith.constant 50048 : i32
      %dma_wait3A_87 = tpu.memref_slice %arg2[%add3A_61, %select_n3A_58, %dma_wait3A_86] : memref<64x16x100000xf32, #tpu.memory_space<hbm>> -> memref<1x1x49952xf32, #tpu.memory_space<hbm>>
      %dma_wait3A_88 = tpu.memref_squeeze %dma_wait3A_87 : memref<1x1x49952xf32, #tpu.memory_space<hbm>> -> memref<49952xf32, #tpu.memory_space<hbm>>
      tpu.wait_dma2 semaphore(%arg10 : memref<!tpu.dma_semaphore, #tpu.memory_space<semaphore_mem>>) src(%dma_wait3A_88 : memref<49952xf32, #tpu.memory_space<hbm>>) dst(%arg7 : memref<49952xf32, #tpu.memory_space<vmem>>)
      %add3A_89 = arith.constant 1 : i32
      %add3A_90 = arith.addi %scan3A_26, %add3A_89 : i32
      %lt3A_91 = arith.constant 32 : i32
      %lt3A_92 = arith.cmpi slt, %add3A_90, %lt3A_91 : i32
      %convert_element_type3A_93 = arith.extui %lt3A_92 : i1 to i32
      %cond3A_94 = arith.constant 0 : i32
      %cond3A_95 = arith.cmpi ne, %convert_element_type3A_93, %cond3A_94 : i32
      scf.if %cond3A_95 {
        %add3A_138 = arith.constant 1 : i32
        %add3A_139 = arith.addi %scan3A_26, %add3A_138 : i32
        %mul3A_140 = arith.constant 2 : i32
        %mul3A_141 = arith.muli %add3A, %mul3A_140 : i32
        %jit3A_142 = arith.constant 16 : i32
        %div3A_143 = arith.divsi %add3A_139, %jit3A_142 : i32
        %sign3A_144 = arith.constant 0 : i32
        %sign3A_145 = arith.cmpi sgt, %add3A_139, %sign3A_144 : i32
        %sign3A_146 = arith.extui %sign3A_145 : i1 to i32
        %sign3A_147 = arith.constant 0 : i32
        %sign3A_148 = arith.cmpi slt, %add3A_139, %sign3A_147 : i32
        %sign3A_149 = arith.extui %sign3A_148 : i1 to i32
        %sign3A_150 = arith.subi %sign3A_146, %sign3A_149 : i32
        %sign3A_151 = arith.constant 0 : i32
        %sign3A_152 = arith.cmpi sgt, %jit3A_142, %sign3A_151 : i32
        %sign3A_153 = arith.extui %sign3A_152 : i1 to i32
        %sign3A_154 = arith.constant 0 : i32
        %sign3A_155 = arith.cmpi slt, %jit3A_142, %sign3A_154 : i32
        %sign3A_156 = arith.extui %sign3A_155 : i1 to i32
        %sign3A_157 = arith.subi %sign3A_153, %sign3A_156 : i32
        %ne3A_158 = arith.cmpi ne, %sign3A_150, %sign3A_157 : i32
        %rem3A_159 = arith.remsi %add3A_139, %jit3A_142 : i32
        %ne3A_160 = arith.constant 0 : i32
        %ne3A_161 = arith.cmpi ne, %rem3A_159, %ne3A_160 : i32
        %and3A_162 = arith.andi %ne3A_158, %ne3A_161 : i1
        %sub3A_163 = arith.constant 1 : i32
        %sub3A_164 = arith.subi %div3A_143, %sub3A_163 : i32
        %select_n3A_165 = arith.select %and3A_162, %sub3A_164, %div3A_143 : i32
        %add3A_166 = arith.addi %mul3A_141, %select_n3A_165 : i32
        %jit3A_167 = arith.constant 16 : i32
        %eq3A_168 = arith.constant 0 : i32
        %eq3A_169 = arith.cmpi eq, %jit3A_167, %eq3A_168 : i32
        %jit3A_170 = arith.constant 1 : i32
        %select_n3A_171 = arith.select %eq3A_169, %jit3A_170, %jit3A_167 : i32
        %rem3A_172 = arith.remsi %add3A_139, %select_n3A_171 : i32
        %ne3A_173 = arith.constant 0 : i32
        %ne3A_174 = arith.cmpi ne, %rem3A_172, %ne3A_173 : i32
        %lt3A_175 = arith.constant 0 : i32
        %lt3A_176 = arith.cmpi slt, %rem3A_172, %lt3A_175 : i32
        %lt3A_177 = arith.constant 0 : i32
        %lt3A_178 = arith.cmpi slt, %select_n3A_171, %lt3A_177 : i32
        %ne3A_179 = arith.xori %lt3A_176, %lt3A_178 : i1
        %and3A_180 = arith.andi %ne3A_179, %ne3A_174 : i1
        %add3A_181 = arith.addi %rem3A_172, %select_n3A_171 : i32
        %select_n3A_182 = arith.select %and3A_180, %add3A_181, %rem3A_172 : i32
        %dma_start3A_183 = arith.constant 0 : i32
        %dma_start3A_184 = tpu.memref_slice %arg2[%add3A_166, %select_n3A_182, %dma_start3A_183] : memref<64x16x100000xf32, #tpu.memory_space<hbm>> -> memref<1x1x50048xf32, #tpu.memory_space<hbm>>
        %dma_start3A_185 = tpu.memref_squeeze %dma_start3A_184 : memref<1x1x50048xf32, #tpu.memory_space<hbm>> -> memref<50048xf32, #tpu.memory_space<hbm>>
        %dma_start3A_186 = arith.constant 0 : i32
        %dma_start3A_187 = tpu.memref_slice %arg2[%add3A_166, %select_n3A_182, %dma_start3A_186] : memref<64x16x100000xf32, #tpu.memory_space<hbm>> -> memref<1x1x50048xf32, #tpu.memory_space<hbm>>
        %dma_start3A_188 = tpu.memref_squeeze %dma_start3A_187 : memref<1x1x50048xf32, #tpu.memory_space<hbm>> -> memref<50048xf32, #tpu.memory_space<hbm>>
        tpu.enqueue_dma source(%dma_start3A_188 : memref<50048xf32, #tpu.memory_space<hbm>>) target(%arg6 : memref<50048xf32, #tpu.memory_space<vmem>>) target_semaphore(%arg9 : memref<!tpu.dma_semaphore, #tpu.memory_space<semaphore_mem>>)
      } else {
      }
      %scan3A_96 = arith.constant 0 : i32
      %scan3A_97 = arith.constant 0 : i32
      %scan3A_98 = arith.constant 64 : i32
      %scan3A_99 = arith.addi %scan3A_97, %scan3A_98 : i32
      %scan3A_100 = arith.constant 1 : i32
      %scan3A_101 = scf.for %scan3A_138 = %scan3A_97 to %scan3A_99 step %scan3A_100 iter_args(%scan3A_139 = %scan3A_96) -> (i32)  : i32 {
        %mul3A_140 = arith.constant 4 : i32
        %mul3A_141 = arith.muli %scan3A_138, %mul3A_140 : i32
        %add3A_142 = arith.constant 0 : i32
        %add3A_143 = arith.addi %mul3A_141, %add3A_142 : i32
        %mul3A_144 = arith.constant 16 : i32
        %mul3A_145 = arith.muli %add3A_143, %mul3A_144 : i32
        %get3A = arith.index_cast %mul3A_145 : i32 to index
        %get3A_146 = tpu.vector_load %arg5[%get3A] {strides = array<i32>} : memref<4096xi32, #tpu.memory_space<vmem>>, vector<16xi32>,
        %ge3A_147 = arith.constant 50048 : i32
        %ge3A_148 = vector.broadcast %ge3A_147 : i32 to vector<16xi32>
        %ge3A_149 = arith.cmpi sge, %get3A_146, %ge3A_148 : vector<16xi32>
        %sub3A_150 = arith.constant 50048 : i32
        %sub3A_151 = vector.broadcast %sub3A_150 : i32 to vector<16xi32>
        %sub3A_152 = arith.subi %get3A_146, %sub3A_151 : vector<16xi32>
        %jit3A_153 = arith.constant 0 : i32
        %broadcast_in_dim3A = vector.broadcast %jit3A_153 : i32 to vector<16xi32>
        %select_n3A_154 = arith.select %ge3A_149, %sub3A_152, %broadcast_in_dim3A : vector<16xi1>, vector<16xi32>
        %gather3A = tpu.vector_load_idx %arg7[%select_n3A_154] : memref<49952xf32, #tpu.memory_space<vmem>>[vector<16xi32>], vector<16xf32>,
        %get3A_155 = arith.index_cast %mul3A_145 : i32 to index
        %get3A_156 = tpu.vector_load %arg8[%get3A_155] {strides = array<i32>} : memref<4096xf32, #tpu.memory_space<vmem>>, vector<16xf32>,
        %select_n3A_157 = arith.select %ge3A_149, %gather3A, %get3A_156 : vector<16xi1>, vector<16xf32>
        %swap3A = arith.index_cast %mul3A_145 : i32 to index
        %swap3A_158 = tpu.vector_load %arg8[%swap3A] {strides = array<i32>} : memref<4096xf32, #tpu.memory_space<vmem>>, vector<16xf32>,
        tpu.vector_store %arg8[%swap3A], %select_n3A_157 {strides = array<i32>} : memref<4096xf32, #tpu.memory_space<vmem>>, vector<16xf32>,
        %mul3A_159 = arith.constant 4 : i32
        %mul3A_160 = arith.muli %scan3A_138, %mul3A_159 : i32
        %add3A_161 = arith.constant 1 : i32
        %add3A_162 = arith.addi %mul3A_160, %add3A_161 : i32
        %mul3A_163 = arith.constant 16 : i32
        %mul3A_164 = arith.muli %add3A_162, %mul3A_163 : i32
        %get3A_165 = arith.index_cast %mul3A_164 : i32 to index
        %get3A_166 = tpu.vector_load %arg5[%get3A_165] {strides = array<i32>} : memref<4096xi32, #tpu.memory_space<vmem>>, vector<16xi32>,
        %ge3A_167 = arith.constant 50048 : i32
        %ge3A_168 = vector.broadcast %ge3A_167 : i32 to vector<16xi32>
        %ge3A_169 = arith.cmpi sge, %get3A_166, %ge3A_168 : vector<16xi32>
        %sub3A_170 = arith.constant 50048 : i32
        %sub3A_171 = vector.broadcast %sub3A_170 : i32 to vector<16xi32>
        %sub3A_172 = arith.subi %get3A_166, %sub3A_171 : vector<16xi32>
        %jit3A_173 = arith.constant 0 : i32
        %broadcast_in_dim3A_174 = vector.broadcast %jit3A_173 : i32 to vector<16xi32>
        %select_n3A_175 = arith.select %ge3A_169, %sub3A_172, %broadcast_in_dim3A_174 : vector<16xi1>, vector<16xi32>
        %gather3A_176 = tpu.vector_load_idx %arg7[%select_n3A_175] : memref<49952xf32, #tpu.memory_space<vmem>>[vector<16xi32>], vector<16xf32>,
        %get3A_177 = arith.index_cast %mul3A_164 : i32 to index
        %get3A_178 = tpu.vector_load %arg8[%get3A_177] {strides = array<i32>} : memref<4096xf32, #tpu.memory_space<vmem>>, vector<16xf32>,
        %select_n3A_179 = arith.select %ge3A_169, %gather3A_176, %get3A_178 : vector<16xi1>, vector<16xf32>
        %swap3A_180 = arith.index_cast %mul3A_164 : i32 to index
        %swap3A_181 = tpu.vector_load %arg8[%swap3A_180] {strides = array<i32>} : memref<4096xf32, #tpu.memory_space<vmem>>, vector<16xf32>,
        tpu.vector_store %arg8[%swap3A_180], %select_n3A_179 {strides = array<i32>} : memref<4096xf32, #tpu.memory_space<vmem>>, vector<16xf32>,
        %mul3A_182 = arith.constant 4 : i32
        %mul3A_183 = arith.muli %scan3A_138, %mul3A_182 : i32
        %add3A_184 = arith.constant 2 : i32
        %add3A_185 = arith.addi %mul3A_183, %add3A_184 : i32
        %mul3A_186 = arith.constant 16 : i32
        %mul3A_187 = arith.muli %add3A_185, %mul3A_186 : i32
        %get3A_188 = arith.index_cast %mul3A_187 : i32 to index
        %get3A_189 = tpu.vector_load %arg5[%get3A_188] {strides = array<i32>} : memref<4096xi32, #tpu.memory_space<vmem>>, vector<16xi32>,
        %ge3A_190 = arith.constant 50048 : i32
        %ge3A_191 = vector.broadcast %ge3A_190 : i32 to vector<16xi32>
        %ge3A_192 = arith.cmpi sge, %get3A_189, %ge3A_191 : vector<16xi32>
        %sub3A_193 = arith.constant 50048 : i32
        %sub3A_194 = vector.broadcast %sub3A_193 : i32 to vector<16xi32>
        %sub3A_195 = arith.subi %get3A_189, %sub3A_194 : vector<16xi32>
        %jit3A_196 = arith.constant 0 : i32
        %broadcast_in_dim3A_197 = vector.broadcast %jit3A_196 : i32 to vector<16xi32>
        %select_n3A_198 = arith.select %ge3A_192, %sub3A_195, %broadcast_in_dim3A_197 : vector<16xi1>, vector<16xi32>
        %gather3A_199 = tpu.vector_load_idx %arg7[%select_n3A_198] : memref<49952xf32, #tpu.memory_space<vmem>>[vector<16xi32>], vector<16xf32>,
        %get3A_200 = arith.index_cast %mul3A_187 : i32 to index
        %get3A_201 = tpu.vector_load %arg8[%get3A_200] {strides = array<i32>} : memref<4096xf32, #tpu.memory_space<vmem>>, vector<16xf32>,
        %select_n3A_202 = arith.select %ge3A_192, %gather3A_199, %get3A_201 : vector<16xi1>, vector<16xf32>
        %swap3A_203 = arith.index_cast %mul3A_187 : i32 to index
        %swap3A_204 = tpu.vector_load %arg8[%swap3A_203] {strides = array<i32>} : memref<4096xf32, #tpu.memory_space<vmem>>, vector<16xf32>,
        tpu.vector_store %arg8[%swap3A_203], %select_n3A_202 {strides = array<i32>} : memref<4096xf32, #tpu.memory_space<vmem>>, vector<16xf32>,
        %mul3A_205 = arith.constant 4 : i32
        %mul3A_206 = arith.muli %scan3A_138, %mul3A_205 : i32
        %add3A_207 = arith.constant 3 : i32
        %add3A_208 = arith.addi %mul3A_206, %add3A_207 : i32
        %mul3A_209 = arith.constant 16 : i32
        %mul3A_210 = arith.muli %add3A_208, %mul3A_209 : i32
        %get3A_211 = arith.index_cast %mul3A_210 : i32 to index
        %get3A_212 = tpu.vector_load %arg5[%get3A_211] {strides = array<i32>} : memref<4096xi32, #tpu.memory_space<vmem>>, vector<16xi32>,
        %ge3A_213 = arith.constant 50048 : i32
        %ge3A_214 = vector.broadcast %ge3A_213 : i32 to vector<16xi32>
        %ge3A_215 = arith.cmpi sge, %get3A_212, %ge3A_214 : vector<16xi32>
        %sub3A_216 = arith.constant 50048 : i32
        %sub3A_217 = vector.broadcast %sub3A_216 : i32 to vector<16xi32>
        %sub3A_218 = arith.subi %get3A_212, %sub3A_217 : vector<16xi32>
        %jit3A_219 = arith.constant 0 : i32
        %broadcast_in_dim3A_220 = vector.broadcast %jit3A_219 : i32 to vector<16xi32>
        %select_n3A_221 = arith.select %ge3A_215, %sub3A_218, %broadcast_in_dim3A_220 : vector<16xi1>, vector<16xi32>
        %gather3A_222 = tpu.vector_load_idx %arg7[%select_n3A_221] : memref<49952xf32, #tpu.memory_space<vmem>>[vector<16xi32>], vector<16xf32>,
        %get3A_223 = arith.index_cast %mul3A_210 : i32 to index
        %get3A_224 = tpu.vector_load %arg8[%get3A_223] {strides = array<i32>} : memref<4096xf32, #tpu.memory_space<vmem>>, vector<16xf32>,
        %select_n3A_225 = arith.select %ge3A_215, %gather3A_222, %get3A_224 : vector<16xi1>, vector<16xf32>
        %swap3A_226 = arith.index_cast %mul3A_210 : i32 to index
        %swap3A_227 = tpu.vector_load %arg8[%swap3A_226] {strides = array<i32>} : memref<4096xf32, #tpu.memory_space<vmem>>, vector<16xf32>,
        tpu.vector_store %arg8[%swap3A_226], %select_n3A_225 {strides = array<i32>} : memref<4096xf32, #tpu.memory_space<vmem>>, vector<16xf32>,
        %scan3A_228 = arith.constant 0 : i32
        scf.yield %scan3A_228 : i32
      }
      %scan3A_102 = arith.constant 64 : i32
      %add3A_103 = arith.constant 1 : i32
      %add3A_104 = arith.addi %scan3A_26, %add3A_103 : i32
      %lt3A_105 = arith.constant 32 : i32
      %lt3A_106 = arith.cmpi slt, %add3A_104, %lt3A_105 : i32
      %add3A_107 = arith.constant 1 : i32
      %add3A_108 = arith.addi %scan3A_26, %add3A_107 : i32
      %jit3A_109 = arith.constant 16 : i32
      %eq3A_110 = arith.constant 0 : i32
      %eq3A_111 = arith.cmpi eq, %jit3A_109, %eq3A_110 : i32
      %jit3A_112 = arith.constant 1 : i32
      %select_n3A_113 = arith.select %eq3A_111, %jit3A_112, %jit3A_109 : i32
      %rem3A_114 = arith.remsi %add3A_108, %select_n3A_113 : i32
      %ne3A_115 = arith.constant 0 : i32
      %ne3A_116 = arith.cmpi ne, %rem3A_114, %ne3A_115 : i32
      %lt3A_117 = arith.constant 0 : i32
      %lt3A_118 = arith.cmpi slt, %rem3A_114, %lt3A_117 : i32
      %lt3A_119 = arith.constant 0 : i32
      %lt3A_120 = arith.cmpi slt, %select_n3A_113, %lt3A_119 : i32
      %ne3A_121 = arith.xori %lt3A_118, %lt3A_120 : i1
      %and3A_122 = arith.andi %ne3A_121, %ne3A_116 : i1
      %add3A_123 = arith.addi %rem3A_114, %select_n3A_113 : i32
      %select_n3A_124 = arith.select %and3A_122, %add3A_123, %rem3A_114 : i32
      %eq3A_125 = arith.constant 0 : i32
      %eq3A_126 = arith.cmpi eq, %select_n3A_124, %eq3A_125 : i32
      %and3A_127 = arith.andi %lt3A_106, %eq3A_126 : i1
      %convert_element_type3A_128 = arith.extui %and3A_127 : i1 to i32
      %cond3A_129 = arith.constant 0 : i32
      %cond3A_130 = arith.cmpi ne, %convert_element_type3A_128, %cond3A_129 : i32
      scf.if %cond3A_130 {
        %mul3A_138 = arith.constant 2 : i32
        %mul3A_139 = arith.muli %add3A, %mul3A_138 : i32
        %add3A_140 = arith.constant 1 : i32
        %add3A_141 = arith.addi %scan3A_26, %add3A_140 : i32
        %jit3A_142 = arith.constant 16 : i32
        %div3A_143 = arith.divsi %add3A_141, %jit3A_142 : i32
        %sign3A_144 = arith.constant 0 : i32
        %sign3A_145 = arith.cmpi sgt, %add3A_141, %sign3A_144 : i32
        %sign3A_146 = arith.extui %sign3A_145 : i1 to i32
        %sign3A_147 = arith.constant 0 : i32
        %sign3A_148 = arith.cmpi slt, %add3A_141, %sign3A_147 : i32
        %sign3A_149 = arith.extui %sign3A_148 : i1 to i32
        %sign3A_150 = arith.subi %sign3A_146, %sign3A_149 : i32
        %sign3A_151 = arith.constant 0 : i32
        %sign3A_152 = arith.cmpi sgt, %jit3A_142, %sign3A_151 : i32
        %sign3A_153 = arith.extui %sign3A_152 : i1 to i32
        %sign3A_154 = arith.constant 0 : i32
        %sign3A_155 = arith.cmpi slt, %jit3A_142, %sign3A_154 : i32
        %sign3A_156 = arith.extui %sign3A_155 : i1 to i32
        %sign3A_157 = arith.subi %sign3A_153, %sign3A_156 : i32
        %ne3A_158 = arith.cmpi ne, %sign3A_150, %sign3A_157 : i32
        %rem3A_159 = arith.remsi %add3A_141, %jit3A_142 : i32
        %ne3A_160 = arith.constant 0 : i32
        %ne3A_161 = arith.cmpi ne, %rem3A_159, %ne3A_160 : i32
        %and3A_162 = arith.andi %ne3A_158, %ne3A_161 : i1
        %sub3A_163 = arith.constant 1 : i32
        %sub3A_164 = arith.subi %div3A_143, %sub3A_163 : i32
        %select_n3A_165 = arith.select %and3A_162, %sub3A_164, %div3A_143 : i32
        %add3A_166 = arith.addi %mul3A_139, %select_n3A_165 : i32
        "tpu.region"() ({
          %run_scoped3A = tpu.sem_alloc : memref<!tpu.dma_semaphore, #tpu.memory_space<semaphore_mem>>
          %dma_start3A_167 = arith.constant 0 : i32
          %dma_start3A_168 = tpu.memref_slice %arg3[%add3A_166, %dma_start3A_167] : memref<64x4096xi32, #tpu.memory_space<hbm>> -> memref<1x4096xi32, #tpu.memory_space<hbm>>
          %dma_start3A_169 = tpu.memref_squeeze %dma_start3A_168 : memref<1x4096xi32, #tpu.memory_space<hbm>> -> memref<4096xi32, #tpu.memory_space<hbm>>
          %dma_start3A_170 = arith.constant 0 : i32
          %dma_start3A_171 = tpu.memref_slice %arg3[%add3A_166, %dma_start3A_170] : memref<64x4096xi32, #tpu.memory_space<hbm>> -> memref<1x4096xi32, #tpu.memory_space<hbm>>
          %dma_start3A_172 = tpu.memref_squeeze %dma_start3A_171 : memref<1x4096xi32, #tpu.memory_space<hbm>> -> memref<4096xi32, #tpu.memory_space<hbm>>
          tpu.enqueue_dma source(%dma_start3A_172 : memref<4096xi32, #tpu.memory_space<hbm>>) target(%arg5 : memref<4096xi32, #tpu.memory_space<vmem>>) target_semaphore(%run_scoped3A : memref<!tpu.dma_semaphore, #tpu.memory_space<semaphore_mem>>)
          %dma_wait3A_173 = arith.constant 0 : i32
          %dma_wait3A_174 = tpu.memref_slice %arg3[%add3A_166, %dma_wait3A_173] : memref<64x4096xi32, #tpu.memory_space<hbm>> -> memref<1x4096xi32, #tpu.memory_space<hbm>>
          %dma_wait3A_175 = tpu.memref_squeeze %dma_wait3A_174 : memref<1x4096xi32, #tpu.memory_space<hbm>> -> memref<4096xi32, #tpu.memory_space<hbm>>
          %dma_wait3A_176 = arith.constant 0 : i32
          %dma_wait3A_177 = tpu.memref_slice %arg3[%add3A_166, %dma_wait3A_176] : memref<64x4096xi32, #tpu.memory_space<hbm>> -> memref<1x4096xi32, #tpu.memory_space<hbm>>
          %dma_wait3A_178 = tpu.memref_squeeze %dma_wait3A_177 : memref<1x4096xi32, #tpu.memory_space<hbm>> -> memref<4096xi32, #tpu.memory_space<hbm>>
          tpu.wait_dma2 semaphore(%run_scoped3A : memref<!tpu.dma_semaphore, #tpu.memory_space<semaphore_mem>>) src(%dma_wait3A_178 : memref<4096xi32, #tpu.memory_space<hbm>>) dst(%arg5 : memref<4096xi32, #tpu.memory_space<vmem>>)
          tpu.yield
        }) : () -> ()
      } else {
      }
      %dma_start3A_131 = arith.constant 0 : i32
      %dma_start3A_132 = tpu.memref_slice %arg4[%add3A_61, %select_n3A_58, %dma_start3A_131] : memref<64x16x4096xf32, #tpu.memory_space<hbm>> -> memref<1x1x4096xf32, #tpu.memory_space<hbm>>
      %dma_start3A_133 = tpu.memref_squeeze %dma_start3A_132 : memref<1x1x4096xf32, #tpu.memory_space<hbm>> -> memref<4096xf32, #tpu.memory_space<hbm>>
      %dma_start3A_134 = arith.constant 0 : i32
      %dma_start3A_135 = tpu.memref_slice %arg4[%add3A_61, %select_n3A_58, %dma_start3A_134] : memref<64x16x4096xf32, #tpu.memory_space<hbm>> -> memref<1x1x4096xf32, #tpu.memory_space<hbm>>
      %dma_start3A_136 = tpu.memref_squeeze %dma_start3A_135 : memref<1x1x4096xf32, #tpu.memory_space<hbm>> -> memref<4096xf32, #tpu.memory_space<hbm>>
      tpu.enqueue_dma source(%arg8 : memref<4096xf32, #tpu.memory_space<vmem>>) target(%dma_start3A_136 : memref<4096xf32, #tpu.memory_space<hbm>>) target_semaphore(%arg11 : memref<!tpu.dma_semaphore, #tpu.memory_space<semaphore_mem>>)
      %scan3A_137 = arith.constant 0 : i32
      scf.yield %scan3A_137 : i32
    }
    %scan3A_14 = arith.constant 32 : i32
    %mul3A_15 = arith.constant 2 : i32
    %mul3A_16 = arith.muli %add3A, %mul3A_15 : i32
    %add3A_17 = arith.constant 2 : i32
    %add3A_18 = arith.addi %mul3A_16, %add3A_17 : i32
    %sub3A = arith.constant 1 : i32
    %sub3A_19 = arith.subi %add3A_18, %sub3A : i32
    %dma_wait3A = arith.constant 15 : i32
    %dma_wait3A_20 = arith.constant 0 : i32
    %dma_wait3A_21 = tpu.memref_slice %arg4[%sub3A_19, %dma_wait3A, %dma_wait3A_20] : memref<64x16x4096xf32, #tpu.memory_space<hbm>> -> memref<1x1x4096xf32, #tpu.memory_space<hbm>>
    %dma_wait3A_22 = tpu.memref_squeeze %dma_wait3A_21 : memref<1x1x4096xf32, #tpu.memory_space<hbm>> -> memref<4096xf32, #tpu.memory_space<hbm>>
    %dma_wait3A_23 = arith.constant 0 : i32
    %dma_wait3A_24 = tpu.memref_slice %arg4[%sub3A_19, %dma_wait3A, %dma_wait3A_23] : memref<64x16x4096xf32, #tpu.memory_space<hbm>> -> memref<1x1x4096xf32, #tpu.memory_space<hbm>>
    %dma_wait3A_25 = tpu.memref_squeeze %dma_wait3A_24 : memref<1x1x4096xf32, #tpu.memory_space<hbm>> -> memref<4096xf32, #tpu.memory_space<hbm>>
    tpu.wait_dma2 semaphore(%arg11 : memref<!tpu.dma_semaphore, #tpu.memory_space<semaphore_mem>>) src(%arg8 : memref<4096xf32, #tpu.memory_space<vmem>>) dst(%dma_wait3A_25 : memref<4096xf32, #tpu.memory_space<hbm>>)
    return
  }
}

</mosaic_0001>

<sc_bundles>
// kernel: kernel.3.cloned.1.call-start
scs
__scs_entry_jumppad:
0x0: {  	(pc) =	sbr.rel $0x88, $3  }
0x1: {  	(tag) =	ssettag $0x0;
	lr =	simm.s32 $0x1  }
0x2: {  	[smem:$0x3F9F] =	sst lr;
	_ =	strace $0xD0000000  }
0x3: {  	_ = 	snop  }
0x4: {  	_ = 	snop  }
0x5: {  	_ = 	snop  }
0x6: {  	_ = 	snop  }
0x7: {  	_ = 	snop  }
__scs_overlays_trampoline_lowered:
0x8: {  	[smem:$0x3FAE] =	sst s0  }
0x9: {  	[smem:$0x3FAF] =	sst s1  }
0xa: {  	[smem:$0x3FB0] =	sst s2  }
0xb: {  	[smem:$0x3FB1] =	sst s3  }
0xc: {  	[smem:$0x3FB2] =	sst s4  }
0xd: {  	[smem:$0x3FB3] =	sst s5  }
0xe: {  	[smem:$0x3FB4] =	sst s6  }
0xf: {  	[smem:$0x3FB5] =	sst s7  }
0x10: {  	[smem:$0x3FB6] =	sst s8  }
0x11: {  	[smem:$0x3FB7] =	sst s9;
	s0 =	simm.s32 @!p0 $0x0  }
0x12: {  	s1 =	sld [smem:$0x3F9D];
	s0 =	simm.s32 @p0 $0x1  }
0x13: {  	[smem:$0x3FB8] =	sst s0;
	s0 =	simm.s32 @!p1 $0x0  }
0x14: {  	s2 =	sld [smem:$0x3F9C];
	s0 =	simm.s32 @p1 $0x1  }
0x15: {  	[smem:$0x3FB9] =	sst s0;
	s0 =	simm.s32 @!p2 $0x0  }
0x16: {  	s3 =	sld [smem:$0x3FDB];
	s0 =	simm.s32 @p2 $0x1  }
0x17: {  	s4 =	simm.s32 $0x1BF5;
	[smem:$0x3FBB] =	sst s0  }
0x18: {  	s0 =	sld [smem:$0x3F9E];
	_ =	swait.ge [sflag:s4], $0x0  }
0x19: {  	s7 =	sld [smem:$0x3F9F]  }
0x1a: {  	s8 =	sadd.s32 $0xFFFFE003, lr  }
0x1b: {  	s9 =	sadd.s32 $0xFFFFFEF7, lr;
	s5 =	simm.s32 $0xFFFFFFFF;
	p2 =	slt.u32 s8, $0xFFFFF086  }
0x1c: {  	p1 =	slt.u32 s9, $0xF7A;
	s5 =	simm.s32 @!p2 $0x0  }
0x1d: {  	s5 =	simm.s32 @p1 $0x1;
	p0 =	seq.s32 s7, s2  }
0x1e: {  	s7 =	smul.u32 @!p0 $0xF7A, s2;
	p2 =	seq.s32 @!p0 s5, $0x0  }
0x1f: {  	s9 =	smul.u32 $0xF7A, s1;
	s8 =	simm.s32 @!p0 $0x1BF5;
	p2 =	por !p2, p0  }
0x20: {  	[sflag:s8] =	ssyncset.s32 @!p0 $0xFFFFF086;
	s6 =	sadd.s32 @!p0 s3, s7;
	s7 =	simm.s32 @!p0 $0x108  }
0x21: {  	s3 =	sadd.s32 s3, s9;
	s6 =	sadd.s32 @!p0 $0x88, s6;
	s7 =	simm.s32 @p2 $0x1082  }
0x22: {  	[simem:s7], [sflag:s8] =	dma.local @!p0 [hbm:s6], $0xF7A  }
0x23: {  	s9 =	sor.u32 $0xD0000000, s2;
	s6 =	simm.s32 $0x108;
	_ =	swait.ge @!p0 [sflag:s8], $0x0  }
0x24: {  	s3 =	sadd.s32 $0x88, s3;
	s6 =	simm.s32 @!p1 $0x1082;
	[sflag:s4] =	ssyncset.s32 $0xFFFFF086  }
0x25: {  	[simem:s6], [sflag:s4] =	dma.local [hbm:s3], $0xF7A  }
0x26: {  	[smem:$0x3F9F] =	sst s1;
	(tag) =	ssettag s2;
	_ =	strace s9  }
0x27: {  	s1 =	sld [smem:$0x3FAF]  }
0x28: {  	s2 =	sld [smem:$0x3FB0]  }
0x29: {  	s4 =	sld [smem:$0x3FB2]  }
0x2a: {  	p0 =	seq.s32 s5, $0x0;
	s5 =	sld [smem:$0x3FB3]  }
0x2b: {  	s6 =	sld [smem:$0x3FB4]  }
0x2c: {  	s7 =	sld [smem:$0x3FB5]  }
0x2d: {  	s3 =	simm.s32 $0x108;
	s8 =	sld [smem:$0x3FB6]  }
0x2e: {  	s3 =	simm.s32 @!p0 $0x1082;
	s9 =	sld [smem:$0x3FB7]  }
0x2f: {  	lr =	sadd.s32 s0, s3;
	s0 =	sld [smem:$0x3FAE]  }
0x30: {  	s3 =	sld [smem:$0x3FB1]  }
0x31: {  	[smem:$0x3FBA] =	sst s10  }
0x32: {  	s10 =	sld [smem:$0x3FB8];
	_ =	sdelay $0x3  }
0x33: {  	p0 =	seq.s32 s10, $0x1;
	s10 =	sld [smem:$0x3FBA];
	_ =	sdelay $0x3  }
0x34: {  	[smem:$0x3FBA] =	sst s10  }
0x35: {  	s10 =	sld [smem:$0x3FB9];
	_ =	sdelay $0x3  }
0x36: {  	p1 =	seq.s32 s10, $0x1;
	s10 =	sld [smem:$0x3FBA];
	_ =	sdelay $0x3  }
0x37: {  	[smem:$0x3FBA] =	sst s10  }
0x38: {  	s10 =	sld [smem:$0x3FBB]  }
0x39: {  	_ = 	snop;
	(pc) =	sbr.ind lr, $3  }
0x3a: {  	_ = 	snop  }
0x3b: {  	_ = 	snop  }
0x3c: {  	p2 =	seq.s32 s10, $0x1;
	s10 =	sld [smem:$0x3FBA]  }
0x3d: {  	_ =	shalt  }
0x3e: {  	_ =	shalt  }
0x3f: {  	_ =	shalt  }
0x40: {  	_ =	shalt  }
0x41: {  	_ =	shalt  }
0x42: {  	_ =	shalt  }
0x43: {  	_ =	shalt  }
0x44: {  	_ =	shalt  }
0x45: {  	_ =	shalt  }
0x46: {  	_ =	shalt  }
0x47: {  	_ =	shalt  }
0x48: {  	_ =	shalt  }
0x49: {  	_ =	shalt  }
0x4a: {  	_ =	shalt  }
0x4b: {  	_ =	shalt  }
0x4c: {  	_ =	shalt  }
0x4d: {  	_ =	shalt  }
0x4e: {  	_ =	shalt  }
0x4f: {  	_ =	shalt  }
0x50: {  	_ =	shalt  }
0x51: {  	_ =	shalt  }
0x52: {  	_ =	shalt  }
0x53: {  	_ =	shalt  }
0x54: {  	_ =	shalt  }
0x55: {  	_ =	shalt  }
0x56: {  	_ =	shalt  }
0x57: {  	_ =	shalt  }
0x58: {  	_ =	shalt  }
0x59: {  	_ =	shalt  }
0x5a: {  	_ =	shalt  }
0x5b: {  	_ =	shalt  }
0x5c: {  	_ =	shalt  }
0x5d: {  	_ =	shalt  }
0x5e: {  	_ =	shalt  }
0x5f: {  	_ =	shalt  }
0x60: {  	_ =	shalt  }
0x61: {  	_ =	shalt  }
0x62: {  	_ =	shalt  }
0x63: {  	_ =	shalt  }
0x64: {  	_ =	shalt  }
0x65: {  	_ =	shalt  }
0x66: {  	_ =	shalt  }
0x67: {  	_ =	shalt  }
0x68: {  	_ =	shalt  }
0x69: {  	_ =	shalt  }
0x6a: {  	_ =	shalt  }
0x6b: {  	_ =	shalt  }
0x6c: {  	_ =	shalt  }
0x6d: {  	_ =	shalt  }
0x6e: {  	_ =	shalt  }
0x6f: {  	_ =	shalt  }
0x70: {  	_ =	shalt  }
0x71: {  	_ =	shalt  }
0x72: {  	_ =	shalt  }
0x73: {  	_ =	shalt  }
0x74: {  	_ =	shalt  }
0x75: {  	_ =	shalt  }
0x76: {  	_ =	shalt  }
0x77: {  	_ =	shalt  }
0x78: {  	_ =	shalt  }
0x79: {  	_ =	shalt  }
0x7a: {  	_ =	shalt  }
0x7b: {  	_ =	shalt  }
0x7c: {  	_ =	shalt  }
0x7d: {  	_ =	shalt  }
0x7e: {  	_ =	shalt  }
0x7f: {  	_ =	shalt  }
0x80: {  	_ =	shalt  }
0x81: {  	_ =	shalt  }
0x82: {  	_ =	shalt  }
0x83: {  	_ =	shalt  }
0x84: {  	_ =	shalt  }
0x85: {  	_ =	shalt  }
0x86: {  	_ =	shalt  }
0x87: {  	_ =	shalt  }
.Lfunc_end0:
.L_simem_size_0:
called_computation_lowered:
.L_overlay_start_0:
0x88: {  	s2 =	sld [smem:$0x3FD9]  }
0x89: {  	s3 =	sld [smem:$0x3FFE];
	_ =	sdelay $0x1  }
0x8a: {  	s1 =	srdreg.scid  }
0x8b: {  	s0 =	sand.u32 $0x1, s1  }
0x8c: {  	s18 =	sshll.u32 s0, $0xA;
	s2 =	sadd.s32 s3, s2  }
0x8d: {  	s2 =	sadd.s32 s2, s18  }
0x8e: {  	[smem:$0x3FC6] =	sst s2  }
0x8f: {  	_ = 	snop  }
0x90: {  	s2 =	sld [smem:$0x3FC9]  }
0x91: {  	s19 =	sld [smem:$0x3FC8]  }
0x92: {  	s4 =	sld [smem:$0x3FD0];
	(tm) =	ssettm $0x1  }
0x93: {  	s5 =	sld [smem:$0x3FFB];
	_ =	sdelay $0x3  }
0x94: {  	_ =	strace s5  }
0x95: {  	s5 =	sld [smem:$0x3FFC];
	_ =	sdelay $0x3  }
0x96: {  	_ =	strace s5  }
0x97: {  	s5 =	sld [smem:$0x3FFD];
	_ =	sdelay $0x3  }
0x98: {  	_ =	strace s5  }
0x99: {  	_ =	strace $0x8FFFFFFF  }
0x9a: {  	s20 =	sld [smem:$0x3FDB];
	_ =	sdelay $0x1  }
0x9b: {  	s6 =	simm.s32 $_scs_section_size  }
0x9c: {  	s7 =	simm.s32 $_size__tile_overlayer_lowered;
	s8 =	simm.s32 $_tile_overlayer_lowered  }
0x9d: {  	s23 =	simm.s32 $0x1BFF;
	s22 =	sshll.u32 s8, $0x1;
	s5 =	sadd.s32 s6, s20  }
0x9e: {  	s9 =	simm.s32 $0x0;
	s21 =	sshll.u32 s7, $0x1;
	s7 =	sadd.s32 s22, s5  }
0x9f: {  	[timem:s9], [sflag:s23] =	dma.local [hbm:s7], s21  }
0xa0: {  	_ =	swait.ge [sflag:s23], s21  }
0xa1: {  	s6 =	ssub.s32 $0x0, s21;
	[sflag:s23] =	ssyncset.done $0x0  }
0xa2: {  	[sflag:s23] =	ssyncadd.s32 s6;
	_ =	sdelay $0x1  }
0xa3: {  	s24 =	simm.s32 $0x1B8B  }
0xa4: {  	_ =	swait.ge [sflag:s24], $0x1  }
0xa5: {  	[sflag:s24] =	ssyncset.done $0x0  }
0xa6: {  	s25 =	simm.s32 $0x1B8E;
	[sflag:s24] =	ssyncadd.s32 $0xFFFFFFFF  }
0xa7: {  	s26 =	simm.s32 $execute0_lowered;
	[smem:$0x3FD2] =	sst s25  }
0xa8: {  	s6 =	sshll.u32 s26, $0x1;
	_ =	strace $0x80000046;
	[dreg:$0x1] =	wrdreg $0xFFFFFFFF  }
0xa9: {  	s28 =	simm.s32 $_size_execute0_lowered;
	s5 =	sadd.s32 s5, s6;
	[dreg:$0x0] =	wrdreg $0x0  }
0xaa: {  	s6 =	sshll.u32 s28, $0x1;
	[dreg:$0x2] =	wrdreg s5  }
0xab: {  	[dreg:$0x3] =	wrdreg s6  }
0xac: {  	[dreg:$0x4] =	wrdreg $0xC0  }
0xad: {  	_ =	task [dreg:s9], $0x5FFFF  }
0xae: {  	[dreg:$0x1] =	wrdreg $0xFFFFFFFF  }
0xaf: {  	[dreg:$0x0] =	wrdreg $0x60  }
0xb0: {  	[dreg:$0x2] =	wrdreg s19  }
0xb1: {  	[dreg:$0x3] =	wrdreg s2  }
0xb2: {  	[dreg:$0x4] =	wrdreg s4  }
0xb3: {  	[dreg:$0x5] =	wrdreg $0x9  }
0xb4: {  	_ =	task.clear_ibuf [dreg:s9], $0x6FFFF;
	_ =	strace $0x90000046  }
0xb5: {  	s29 =	simm.s32 $0x9;
	_ =	strace $0x80000048  }
0xb6: {  	_ =	swait.ge [sflag:s29], $0x1  }
0xb7: {  	[sflag:s29] =	ssyncadd.s32 $0xFFFFFFFF  }
0xb8: {  	_ =	strace $0x90000048  }
0xb9: {  	_ =	sfence  }
0xba: {  	s30 =	sld [smem:$0x0];
	_ =	sdelay $0x2  }
0xbb: {  	s31 =	sshll.u32 s1, $0xD;
	s1 =	sshrl.u32 s1, $0x2  }
0xbc: {  	s3 =	sand.u32 $0x4000, s31;
	s1 =	sadd.s32 s1, s30  }
0xbd: {  	s0 =	sor.u32 s3, s0;
	s1 =	sshll.u32 s1, $0x11  }
0xbe: {  	s0 =	sor.u32 s1, s0  }
0xbf: {  	s0 =	sadd.s32 $0x8F2B, s0  }
0xc0: {  	[sflag:s0] =	ssyncadd.remote.s32 $0x1  }
0xc1: {  	_ =	sfence.sel $0xFFFF  }
0xc2: {  	[dreg:$0x0] =	wrdreg $0xFFFFFFFF;
	(pc) =	sbr.abs _section_cstart, $3  }
0xc3: {  	[dreg:$0x1] =	wrdreg $0xFFFFFFFF  }
0xc4: {  	_ =	task.clear_ibuf [dreg:s9], $0x2FFFF;
	_ =	strace $0x9FFFFFFF  }
0xc5: {  	(tm) =	ssettm $0x7FFFFFFF  }
tec
execute0_lowered:
.L_overlay_start_1:
0x0: {  	(tag) =	ssettag $0x1  }
0x1: {  	s1 =	rddreg [dreg:$0x0]  }
0x2: {  	s2 =	rddreg [dreg:$0x1]  }
0x3: {  	s3 =	rddreg [dreg:$0x2]  }
0x4: {  	s0 =	rddreg [dreg:$0x3];
	s5 =	simm.s32 $0x0  }
0x5: {  	s6 =	srdreg.scid;
	s4 =	stileid.u32;
	s12 =	simm.s32 $0x4  }
0x6: {  	s13 =	simm.s32 $0x1000;
	s14 =	simm.s32 $0x1;
	s15 =	simm.s32 $0xD380  }
0x7: {  	s16 =	simm.s32 $0x2;
	s17 =	simm.s32 $0x19700;
	s18 =	simm.s32 $0x3  }
0x8: {  	s19 =	simm.s32 $0x0;
	[smem:$0x7FF] =	sst s5;
	s6 =	sand.u32 $0x1, s6  }
0x9: {  	s7 =	sshll.u32 s4, $0x1;
	s31 =	sshll.u32 s4, $0xB;
	_ =	strace $0x80000047  }
0xa: {  	s8 =	ssub.s32 $0x2, s6;
	s6 =	sor.u32 s6, s7;
	s7 =	sand.u32 $0x7000, s31  }
0xb: {  	s9 =	sshrl.u32 s8, $0x1;
	s10 =	sshll.u32 s6, $0x5;
	s11 =	smul.u32 $0x61C00, s6  }
0xc: {  	s7 =	sadd.s32 s2, s7;
	s6 =	sshll.u32 s6, $0x1;
	s10 =	sand.u32 $0x60, s10  }
0xd: {  	s9 =	ssub.s32 s8, s9;
	s7 =	sadd.s32 s10, s7;
	s8 =	sadd.s32 s1, s11  }
0xe: {  	s9 =	smax.u32 s9, $0x1;
	s10 =	simm.s32 $0x80;
	s11 =	simm.s32 $0x400  }
.LBB2_1:
0xf: {  	[tilespmem:s5], [sflag:$0x4] =	stream.strided.gather [hbm4b:s7+s10], $0x1000, s11, s10, $0x38;
	[tilespmem:$0x1A700] =	vst v63  }
0x10: {  	_ =	swait.ge [sflag:s12], $0x1000  }
0x11: {  	[sflag:s12] =	ssyncset.done $0x0  }
0x12: {  	s24 =	simm.s32 $0x0;
	[sflag:s12] =	ssyncadd.s32 $0xFFFFF000  }
0x13: {  	[tilespmem:s13], [sflag:$0x1] =	stream.strided.gather [hbm4b:s8+s10], $0xC380, s11, s10, $0x38;
	[tilespmem:$0x1A700] =	vst v63  }
.LBB2_2:
0x14: {  	s20 =	sshrl.u32 s24, $0x3  }
0x15: {  	s21 =	sshrl.u32 s24, $0x4;
	s20 =	sand.u32 $0x1, s20  }
0x16: {  	s31 =	sshll.u32 s24, $0x7;
	s22 =	sor.u32 s6, s21;
	s23 =	smul.u32 $0xC3800, s20  }
0x17: {  	s21 =	sand.u32 $0x380, s31;
	s25 =	smul.u32 $0x187000, s22  }
0x18: {  	s23 =	sor.u32 s21, s23  }
0x19: {  	s23 =	sadd.s32 s25, s23  }
0x1a: {  	_ =	swait.ge [sflag:s14], $0xC380;
	s23 =	sadd.s32 $0x61C00, s23  }
0x1b: {  	[sflag:s14] =	ssyncset.done $0x0;
	s23 =	sshrl.u32 s23, $0x3  }
0x1c: {  	p0 =	seq.s32 s24, $0x0;
	[sflag:s14] =	ssyncadd.s32 $0xFFFF3C80;
	s23 =	sadd.s32 s1, s23  }
0x1d: {  	[tilespmem:s15], [sflag:$0x2] =	stream.strided.gather [hbm4b:s23+s10], $0xC380, s11, s10, $0x38;
	[tilespmem:$0x1A700] =	vst v63  }
0x1e: {  	s23 =	simm.s32 @!p0 $0x3  }
0x1f: {  	_ =	swait.ge @!p0 [sflag:s23], $0x1000  }
0x20: {  	[sflag:s23] =	ssyncset.done @!p0 $0x0  }
0x21: {  	[sflag:s23] =	ssyncadd.s32 @!p0 $0xFFFFF000;
	s23 =	simm.s32 $0x0  }
0x22: {  	v0 =	vld [tilespmem:s23+$0x0];
	_ =	sdelay $0x4  }
0x23: {  	vm0 =	vlt.s32 v0, $0xC380  }
0x24: {  	v1 =	vld [tilespmem:s23+$0x10];
	v0 =	vnsel vm0, $0x0, v0;
	_ =	sdelay $0x4  }
0x25: {  	vm13 =	vlt.s32 v1, $0xC380;
	v0 =	vld.idx.msk [tilespmem:v0+s13+$0x0], $0xffff  }
0x26: {  	v2 =	vld [tilespmem:s23+$0x20];
	v1 =	vnsel vm13, $0x0, v1;
	_ =	sdelay $0x3  }
0x27: {  	[tilespmem:s23+$0x19700] =	vst v0  }
0x28: {  	vm14 =	vlt.s32 v2, $0xC380;
	v0 =	vld.idx.msk [tilespmem:v1+s13+$0x0], $0xffff  }
0x29: {  	v2 =	vnsel vm14, $0x0, v2;
	v1 =	vld [tilespmem:s23+$0x30];
	_ =	sdelay $0x3  }
0x2a: {  	[tilespmem:s23+$0x19710] =	vst v0  }
0x2b: {  	vm15 =	vlt.s32 v1, $0xC380;
	v0 =	vld.idx.msk [tilespmem:v2+s13+$0x0], $0xffff  }
0x2c: {  	s26 =	simm.s32 $0x200;
	s25 =	simm.s32 $0x40;
	v1 =	vnsel vm15, $0x0, v1  }
.LBB2_3:
0x2d: {  	p0 =	sne.s32 s26, $0x3F00;
	v2 =	vld [tilespmem:s25+$0x0];
	_ =	sdelay $0x2  }
0x2e: {  	[tilespmem:s23+$0x19720] =	vst v0  }
0x2f: {  	v0 =	vld.idx.msk [tilespmem:v1+s13+$0x0], $0xffff  }
0x30: {  	vm0 =	vlt.s32 v2, $0xC380  }
0x31: {  	v1 =	vnsel vm0, $0x0, v2  }
0x32: {  	v2 =	vld [tilespmem:s25+$0x10];
	_ =	sdelay $0x2  }
0x33: {  	[tilespmem:s23+$0x19730] =	vst v0;
	s23 =	smov.u32 s25  }
0x34: {  	v0 =	vld.idx.msk [tilespmem:v1+s13+$0x0], $0xffff  }
0x35: {  	vm0 =	vlt.s32 v2, $0xC380  }
0x36: {  	v1 =	vnsel vm0, $0x0, v2  }
0x37: {  	v2 =	vld [tilespmem:s23+$0x20];
	_ =	sdelay $0x2  }
0x38: {  	[tilespmem:s23+$0x19700] =	vst v0  }
0x39: {  	v0 =	vld.idx.msk [tilespmem:v1+s13+$0x0], $0xffff  }
0x3a: {  	vm0 =	vlt.s32 v2, $0xC380  }
0x3b: {  	v1 =	vnsel vm0, $0x0, v2  }
0x3c: {  	v2 =	vld [tilespmem:s23+$0x30];
	_ =	sdelay $0x1  }
.Ltmp0:
0x3d: {  	(pc) =	sbr.rel @p0 .LBB2_3-.Ltmp0, $4  }
0x3e: {  	[tilespmem:s23+$0x19710] =	vst v0  }
0x3f: {  	v0 =	vld.idx.msk [tilespmem:v1+s13+$0x0], $0xffff  }
0x40: {  	vm0 =	vlt.s32 v2, $0xC380  }
0x41: {  	s25 =	sshra.s32 s26, $0x2;
	s26 =	sadd.s32 $0x100, s26;
	v1 =	vnsel vm0, $0x0, v2  }
0x42: {  	v2 =	vld [tilespmem:s25+$0x0];
	_ =	sdelay $0x3  }
0x43: {  	[tilespmem:s23+$0x19720] =	vst v0  }
0x44: {  	v0 =	vld.idx.msk [tilespmem:v1+s13+$0x0], $0xffff;
	vm0 =	vlt.s32 v2, $0xC380  }
0x45: {  	v1 =	vnsel vm0, $0x0, v2;
	v2 =	vld [tilespmem:s25+$0x10];
	_ =	sdelay $0x3  }
0x46: {  	[tilespmem:s23+$0x19730] =	vst v0  }
0x47: {  	v0 =	vld.idx.msk [tilespmem:v1+s13+$0x0], $0xffff;
	vm7 =	vlt.s32 v2, $0xC380  }
0x48: {  	v1 =	vnsel vm7, $0x0, v2;
	v2 =	vld [tilespmem:s25+$0x20];
	_ =	sdelay $0x3  }
0x49: {  	[tilespmem:s25+$0x19700] =	vst v0  }
0x4a: {  	v0 =	vld.idx.msk [tilespmem:v1+s13+$0x0], $0xffff;
	vm8 =	vlt.s32 v2, $0xC380  }
0x4b: {  	v1 =	vnsel vm8, $0x0, v2;
	v2 =	vld [tilespmem:s25+$0x30];
	_ =	sdelay $0x3  }
0x4c: {  	[tilespmem:s25+$0x19710] =	vst v0  }
0x4d: {  	v0 =	vld.idx.msk [tilespmem:v1+s13+$0x0], $0xffff;
	vm9 =	vlt.s32 v2, $0xC380  }
0x4e: {  	v1 =	vnsel vm9, $0x0, v2;
	_ =	sdelay $0x3  }
0x4f: {  	[tilespmem:s25+$0x19720] =	vst v0  }
0x50: {  	p0 =	seq.s32 s24, $0x1F;
	s23 =	sadd.s32 $0x1, s24;
	v0 =	vld.idx.msk [tilespmem:v1+s13+$0x0], $0xffff  }
0x51: {  	s24 =	sshrl.u32 @!p0 s23, $0x4  }
0x52: {  	s26 =	sshll.u32 @!p0 s23, $0x1C;
	s24 =	sadd.s32 @!p0 s6, s24  }
0x53: {  	s26 =	sshra.s32 @!p0 s26, $0x1F;
	s24 =	smul.u32 @!p0 $0x187000, s24  }
0x54: {  	s28 =	sshll.u32 @!p0 s23, $0x7;
	s26 =	sand.u32 @!p0 $0xC3800, s26  }
0x55: {  	s24 =	sadd.s32 @!p0 s26, s24;
	[tilespmem:s25+$0x19730] =	vst v0;
	s25 =	sand.u32 @!p0 $0x380, s28  }
0x56: {  	s26 =	simm.s32 @!p0 $0x400;
	_ =	swait.ge [sflag:s16], $0xC380;
	s24 =	sor.u32 @!p0 s25, s24  }
0x57: {  	s28 =	simm.s32 @!p0 $0x1000;
	[sflag:s16] =	ssyncset.done $0x0;
	s24 =	sshrl.u32 @!p0 s24, $0x3  }
0x58: {  	s25 =	simm.s32 @!p0 $0x80;
	[sflag:s16] =	ssyncadd.s32 $0xFFFF3C80;
	s24 =	sadd.s32 @!p0 s1, s24  }
0x59: {  	[tilespmem:s28], [sflag:$0x1] =	stream.strided.gather @!p0 [hbm4b:s24+s25], $0xC380, s26, s25, $0x38;
	[tilespmem:$0x1A700] =	vst v63  }
0x5a: {  	s24 =	simm.s32 $0x0  }
0x5b: {  	v0 =	vld [tilespmem:s24+$0x0];
	_ =	sdelay $0x4  }
0x5c: {  	vm10 =	vgt.s32 v0, $0xC380  }
0x5d: {  	v1 =	vnsel vm10, $0xC380, v0  }
0x5e: {  	v2 =	vld [tilespmem:s24+$0x10];
	v1 =	vadd.s32 $0xFFFF3C80, v1;
	_ =	sdelay $0x3  }
0x5f: {  	v4 =	vld [tilespmem:s24+$0x19700]  }
0x60: {  	vm11 =	vgt.s32 v2, $0xC380;
	v3 =	vld.idx.msk [tilespmem:v1+s15+$0x0], $0xffff  }
0x61: {  	v1 =	vnsel vm11, $0xC380, v2  }
0x62: {  	v5 =	vadd.s32 $0xFFFF3C80, v1;
	v1 =	vld [tilespmem:s24+$0x20];
	_ =	sdelay $0x1  }
0x63: {  	vm12 =	vgt.s32 v0, $0xC37F  }
0x64: {  	v0 =	vsel vm12, v3, v4  }
0x65: {  	v4 =	vld [tilespmem:s24+$0x19710];
	[tilespmem:s24+$0x19700] =	vst v0  }
0x66: {  	vm13 =	vgt.s32 v1, $0xC380;
	v3 =	vld.idx.msk [tilespmem:v5+s15+$0x0], $0xffff  }
0x67: {  	v5 =	vnsel vm13, $0xC380, v1  }
0x68: {  	v0 =	vld [tilespmem:s24+$0x30];
	v5 =	vadd.s32 $0xFFFF3C80, v5;
	_ =	sdelay $0x1  }
0x69: {  	vm14 =	vgt.s32 v2, $0xC37F  }
0x6a: {  	v2 =	vsel vm14, v3, v4  }
0x6b: {  	v3 =	vld [tilespmem:s24+$0x19720];
	[tilespmem:s24+$0x19710] =	vst v2  }
0x6c: {  	vm15 =	vgt.s32 v0, $0xC380;
	v2 =	vld.idx.msk [tilespmem:v5+s15+$0x0], $0xffff  }
0x6d: {  	v4 =	vnsel vm15, $0xC380, v0  }
0x6e: {  	s25 =	simm.s32 $0x40;
	s26 =	simm.s32 $0x200;
	v4 =	vadd.s32 $0xFFFF3C80, v4  }
.LBB2_5:
0x6f: {  	p1 =	sne.s32 s26, $0x3F00;
	v5 =	vld [tilespmem:s25+$0x0]  }
0x70: {  	vm0 =	vgt.s32 v1, $0xC37F  }
0x71: {  	v1 =	vsel vm0, v2, v3  }
0x72: {  	[tilespmem:s24+$0x19720] =	vst v1  }
0x73: {  	v1 =	vld.idx.msk [tilespmem:v4+s15+$0x0], $0xffff  }
0x74: {  	vm0 =	vgt.s32 v5, $0xC380;
	v2 =	vld [tilespmem:s24+$0x19730]  }
0x75: {  	v3 =	vnsel vm0, $0xC380, v5  }
0x76: {  	v3 =	vadd.s32 $0xFFFF3C80, v3  }
0x77: {  	v4 =	vld [tilespmem:s25+$0x10]  }
0x78: {  	vm0 =	vgt.s32 v0, $0xC37F  }
0x79: {  	v0 =	vsel vm0, v1, v2  }
0x7a: {  	[tilespmem:s24+$0x19730] =	vst v0;
	s24 =	smov.u32 s25  }
0x7b: {  	v0 =	vld.idx.msk [tilespmem:v3+s15+$0x0], $0xffff  }
0x7c: {  	v2 =	vld [tilespmem:s24+$0x19700];
	vm0 =	vgt.s32 v4, $0xC380  }
0x7d: {  	v1 =	vnsel vm0, $0xC380, v4  }
0x7e: {  	v3 =	vadd.s32 $0xFFFF3C80, v1  }
0x7f: {  	v1 =	vld [tilespmem:s24+$0x20]  }
0x80: {  	vm0 =	vgt.s32 v5, $0xC37F  }
0x81: {  	v0 =	vsel vm0, v0, v2  }
0x82: {  	[tilespmem:s24+$0x19700] =	vst v0  }
0x83: {  	v2 =	vld.idx.msk [tilespmem:v3+s15+$0x0], $0xffff  }
0x84: {  	v3 =	vld [tilespmem:s24+$0x19710];
	vm0 =	vgt.s32 v1, $0xC380  }
0x85: {  	v0 =	vnsel vm0, $0xC380, v1  }
0x86: {  	v5 =	vadd.s32 $0xFFFF3C80, v0  }
0x87: {  	v0 =	vld [tilespmem:s24+$0x30]  }
0x88: {  	vm0 =	vgt.s32 v4, $0xC37F  }
0x89: {  	v2 =	vsel vm0, v2, v3  }
.Ltmp1:
0x8a: {  	[tilespmem:s24+$0x19710] =	vst v2;
	(pc) =	sbr.rel @p1 .LBB2_5-.Ltmp1, $4  }
0x8b: {  	v2 =	vld.idx.msk [tilespmem:v5+s15+$0x0], $0xffff  }
0x8c: {  	v3 =	vld [tilespmem:s24+$0x19720];
	vm0 =	vgt.s32 v0, $0xC380  }
0x8d: {  	v4 =	vnsel vm0, $0xC380, v0  }
0x8e: {  	s25 =	sshra.s32 s26, $0x2;
	s26 =	sadd.s32 $0x100, s26;
	v4 =	vadd.s32 $0xFFFF3C80, v4  }
0x8f: {  	v5 =	vld [tilespmem:s25+$0x0]  }
0x90: {  	vm0 =	vgt.s32 v1, $0xC37F  }
0x91: {  	v1 =	vsel vm0, v2, v3  }
0x92: {  	v52 =	vld [tilespmem:s24+$0x19730];
	[tilespmem:s24+$0x19720] =	vst v1  }
0x93: {  	v1 =	vld.idx.msk [tilespmem:v4+s15+$0x0], $0xffff  }
0x94: {  	vm7 =	vgt.s32 v5, $0xC380  }
0x95: {  	v53 =	vnsel vm7, $0xC380, v5  }
0x96: {  	v54 =	vld [tilespmem:s25+$0x10];
	v3 =	vadd.s32 $0xFFFF3C80, v53  }
0x97: {  	vm8 =	vgt.s32 v0, $0xC37F  }
0x98: {  	v0 =	vsel vm8, v1, v52  }
0x99: {  	[tilespmem:s24+$0x19730] =	vst v0  }
0x9a: {  	v55 =	vld [tilespmem:s25+$0x19700]  }
0x9b: {  	vm9 =	vgt.s32 v54, $0xC380;
	v0 =	vld.idx.msk [tilespmem:v3+s15+$0x0], $0xffff  }
0x9c: {  	v56 =	vnsel vm9, $0xC380, v54  }
0x9d: {  	v2 =	vadd.s32 $0xFFFF3C80, v56;
	v57 =	vld [tilespmem:s25+$0x20];
	_ =	sdelay $0x1  }
0x9e: {  	vm10 =	vgt.s32 v5, $0xC37F  }
0x9f: {  	v0 =	vsel vm10, v0, v55  }
0xa0: {  	v58 =	vld [tilespmem:s25+$0x19710];
	[tilespmem:s25+$0x19700] =	vst v0  }
0xa1: {  	vm11 =	vgt.s32 v57, $0xC380;
	v0 =	vld.idx.msk [tilespmem:v2+s15+$0x0], $0xffff  }
0xa2: {  	v59 =	vnsel vm11, $0xC380, v57  }
0xa3: {  	v60 =	vld [tilespmem:s25+$0x30];
	v2 =	vadd.s32 $0xFFFF3C80, v59;
	_ =	sdelay $0x1  }
0xa4: {  	vm12 =	vgt.s32 v54, $0xC37F  }
0xa5: {  	v0 =	vsel vm12, v0, v58  }
0xa6: {  	v61 =	vld [tilespmem:s25+$0x19720];
	[tilespmem:s25+$0x19710] =	vst v0  }
0xa7: {  	vm13 =	vgt.s32 v60, $0xC380;
	v0 =	vld.idx.msk [tilespmem:v2+s15+$0x0], $0xffff  }
0xa8: {  	v62 =	vnsel vm13, $0xC380, v60  }
0xa9: {  	v2 =	vadd.s32 $0xFFFF3C80, v62;
	_ =	sdelay $0x1  }
0xaa: {  	vm14 =	vgt.s32 v57, $0xC37F  }
0xab: {  	s24 =	sand.u32 $0xF, s23;
	v0 =	vsel vm14, v0, v61  }
0xac: {  	p1 =	sne.s32 @!p0 s24, $0x0;
	v63 =	vld [tilespmem:s25+$0x19730];
	[tilespmem:s25+$0x19720] =	vst v0  }
0xad: {  	p0 =	por p1, p0;
	v0 =	vld.idx.msk [tilespmem:v2+s15+$0x0], $0xffff  }
0xae: {  	s24 =	sshrl.u32 @!p0 s23, $0x4  }
0xaf: {  	s24 =	sadd.s32 @!p0 s6, s24  }
0xb0: {  	s26 =	sshll.u32 @!p0 s24, $0x4  }
0xb1: {  	s24 =	sshll.u32 @!p0 s24, $0x9;
	s26 =	sand.u32 @!p0 $0x70, s26;
	vm15 =	vgt.s32 v60, $0xC37F  }
0xb2: {  	s28 =	simm.s32 @!p0 $0x0;
	s24 =	sand.u32 @!p0 $0xFFFF000, s24;
	s26 =	sadd.s32 @!p0 s2, s26;
	v0 =	vsel vm15, v0, v63  }
0xb3: {  	s24 =	sadd.s32 @!p0 s24, s26;
	s26 =	simm.s32 @!p0 $0x400;
	[tilespmem:s25+$0x19730] =	vst v0;
	s25 =	simm.s32 @!p0 $0x80  }
0xb4: {  	[tilespmem:s28], [sflag:$0x4] =	stream.strided.gather @!p0 [hbm4b:s24+s25], $0x1000, s26, s25, $0x38;
	[tilespmem:$0x1A700] =	vst v63  }
0xb5: {  	s24 =	simm.s32 @!p0 $0x4  }
0xb6: {  	_ =	swait.ge @!p0 [sflag:s24], $0x1000  }
0xb7: {  	s22 =	sshll.u32 s22, $0x10;
	[sflag:s24] =	ssyncset.done @!p0 $0x0  }
0xb8: {  	s20 =	sshll.u32 s20, $0xF;
	[sflag:s24] =	ssyncadd.s32 @!p0 $0xFFFFF000;
	p0 =	sne.s32 s23, $0x20  }
.Ltmp2:
0xb9: {  	s20 =	sor.u32 s20, s22;
	(pc) =	sbr.rel @p0 .LBB2_2-.Ltmp2, $4  }
0xba: {  	s20 =	sor.u32 s21, s20  }
0xbb: {  	s20 =	sshrl.u32 s20, $0x3  }
0xbc: {  	s20 =	sadd.s32 s3, s20;
	s24 =	smov.u32 s23  }
0xbd: {  	[hbm4b:s20+s10] =	stream.strided.scatter [tilespmem:s17], [sflag:$0x3], $0x1000, s11, s10, $0x38;
	[tilespmem:$0x1A700] =	vst v63  }
0xbe: {  	s19 =	sadd.s32 $0x1, s19  }
0xbf: {  	p0 =	sne.s32 s19, s9  }
.Ltmp3:
0xc0: {  	_ = 	snop;
	(pc) =	sbr.rel @p0 .LBB2_1-.Ltmp3, $4  }
0xc1: {  	_ = 	snop  }
0xc2: {  	_ =	swait.ge [sflag:s18], $0x1000  }
0xc3: {  	[sflag:s18] =	ssyncset.done $0x0  }
0xc4: {  	[sflag:s18] =	ssyncadd.s32 $0xFFFFF000  }
0xc5: {  	_ =	sfence.sel $0x180000  }
0xc6: {  	[bflag:$0x0] =	sbarrier.arrive $0xFFFF  }
0xc7: {  	p0 =	sne.s32 s4, $0x0;
	_ =	strace $0x90000047  }
0xc8: {  	s0 =	sadd.s32 @!p0 $0x100000, s0;
	[bflag:$0x2] =	sbarrier.arrive $0xFFFF  }
0xc9: {  	[sflag:s0] =	ssyncadd.tile.s32 @!p0 $0x1;
	_ =	shalt  }
.Lfunc_end2:
_tile_overlayer_lowered:
.L_overlay_start_2:
0xca: {  	(tag) =	ssettag $0x2  }
0xcb: {  	s0 =	rddreg [dreg:$0x0];
	s2 =	stileid.u32  }
0xcc: {  	s1 =	rddreg [dreg:$0x1];
	p0 =	sne.s32 s2, $0x0  }
0xcd: {  	s3 =	rddreg [dreg:$0x2];
	[bflag:$0x3] =	sbarrier.arrive $0xFFFF;
	s2 =	simm.s32 @!p0 $0x1C04  }
0xce: {  	[timem:s3], [sflag:s2] =	dma.local @!p0 [hbm:s0], s1  }
0xcf: {  	s0 =	simm.s32 @!p0 $0x4  }
0xd0: {  	_ =	swait.ge @!p0 [sflag:s0], s1  }
0xd1: {  	s1 =	ssub.s32 @!p0 $0x0, s1;
	[sflag:s0] =	ssyncset.done @!p0 $0x0  }
0xd2: {  	[sflag:s0] =	ssyncadd.s32 @!p0 s1  }
0xd3: {  	[bflag:$0x3] =	sbarrier.arrive $0xFFFF  }
0xd4: {  	_ =	shalt  }

</sc_bundles>
